<compile_context>
chip_gen: v7x
topology: tpu7x:2x2x1
jax: 0.10.2.dev20260603
libtpu: 0.0.44.dev20260713+nightly
codegen_flags: <defaults>
</compile_context>

<pallas_src>
import functools

import jax
import jax.numpy as jnp
from jax import lax
from jax.experimental import pallas as pl
from jax.experimental.pallas import tpu as pltpu
from jax.experimental.pallas import tpu_sc as plsc

N_G = 1000
M_SYM = 10
C_HID = 8
N_GEN = 16
SYM_STRIDE = 16
N_NODES = 100000
NUM_WORKERS = 32
LANES = 16
CHUNK = 3136
HIST_BINS = 16384
GPAD = 1024
LAST_BASE = N_NODES - CHUNK
N_PAIRS = 120


def _sc_hist_body(x_hbm, b_hbm, out_hbm, xv, bv, hist, semx, semb):
    wid = lax.axis_index("s") * 2 + lax.axis_index("c")
    is_last = wid == NUM_WORKERS - 1
    base = jnp.where(is_last, LAST_BASE, wid * CHUNK)

    cpx = pltpu.async_copy(x_hbm.at[pl.ds(base, CHUNK)], xv, semx)
    cpb = pltpu.async_copy(b_hbm.at[pl.ds(base, CHUNK)], bv, semb)

    zeros = jnp.zeros((LANES,), jnp.float32)

    def zero_body(i, _):
        base_z = i * (LANES * 8)
        for j in range(8):
            hist[pl.ds(base_z + j * LANES, LANES)] = zeros
        return 0
    lax.fori_loop(0, HIST_BINS // (LANES * 8), zero_body, 0)

    cpx.wait()
    cpb.wait()

    ones = jnp.ones((LANES,), jnp.float32)
    iota = lax.iota(jnp.int32, LANES)
    skip = jnp.where(is_last, (NUM_WORKERS - 1) * CHUNK - LAST_BASE, 0)

    def body(i, _):
        base_s = i * (LANES * 4)
        for j in range(4):
            off = base_s + j * LANES
            x16 = xv[pl.ds(off, LANES)]
            b16 = bv[pl.ds(off, LANES)]
            key = b16 * SYM_STRIDE + x16
            mask = (iota + off) >= skip
            plsc.addupdate_scatter(hist, [key], ones, mask=mask)
        return 0
    lax.fori_loop(0, CHUNK // (LANES * 4), body, 0)

    pltpu.sync_copy(hist, out_hbm.at[wid])


@functools.partial(
    pl.kernel,
    mesh=plsc.VectorSubcoreMesh(core_axis_name="c", subcore_axis_name="s"),
    out_type=jax.ShapeDtypeStruct((NUM_WORKERS, HIST_BINS), jnp.float32),
    compiler_params=pltpu.CompilerParams(needs_layout_passes=False),
    scratch_types=[
        pltpu.VMEM((CHUNK,), jnp.int32),
        pltpu.VMEM((CHUNK,), jnp.int32),
        pltpu.VMEM((HIST_BINS,), jnp.float32),
        pltpu.SemaphoreType.DMA,
        pltpu.SemaphoreType.DMA,
    ],
)
def _sc_hist(x_hbm, b_hbm, out_hbm, xv, bv, hist, semx, semb):
    _sc_hist_body(x_hbm, b_hbm, out_hbm, xv, bv, hist, semx, semb)


def _tc_tail_body(parts_ref, prior_ref, em_ref, con_ref, w_ref, b_ref,
                  out_ref):
    hist = jnp.sum(parts_ref[...], axis=0)
    prior = prior_ref[...]
    em = em_ref[...]
    t_gm = jnp.zeros((N_GEN, M_SYM), jnp.float32)
    for c in range(C_HID):
        t_gm = t_gm + prior[:, c:c + 1] * em[:, c, :]
    log_t = jnp.log(t_gm + 1e-12)
    ll0 = lax.dot_general(
        hist[:, :M_SYM], log_t, (((1,), (1,)), ((), ())),
        preferred_element_type=jnp.float32,
        precision=lax.Precision.HIGHEST)
    rid = lax.broadcasted_iota(jnp.int32, (GPAD, N_GEN), 0)
    valid = rid < N_G
    ll0v = jnp.where(valid, ll0, 0.0)
    mean = jnp.sum(ll0v, axis=0, keepdims=True) / N_G
    dev = jnp.where(valid, ll0 - mean, 0.0)
    var = jnp.sum(dev * dev, axis=0, keepdims=True) / N_G
    bn = (ll0 - mean) / jnp.sqrt(var + 1e-5)
    c_act = jnp.tanh(jnp.dot(bn, con_ref[...],
                             preferred_element_type=jnp.float32))
    out = lax.dot_general(
        c_act, w_ref[...], (((1,), (1,)), ((), ())),
        preferred_element_type=jnp.float32)
    out_ref[...] = out[:N_G, :] + b_ref[...]


def kernel(x, edge_index, batch, prior, emission, contrastive, W, b):
    del edge_index
    parts = _sc_hist(x.astype(jnp.int32), batch.astype(jnp.int32))

    out = pl.pallas_call(
        _tc_tail_body,
        out_shape=jax.ShapeDtypeStruct((N_G, M_SYM), jnp.float32),
    )(parts.reshape(NUM_WORKERS, GPAD, SYM_STRIDE), prior, emission,
      contrastive, W, b.reshape(1, M_SYM))
    return out

# --- scband reference (transcript-rebuilt; emitter-appended) ---
"""Pipeline reference for scband-cgmn-77970836291979 (READ-ONLY COPY).

The authoritative reference and input builder live on the scoring server;
editing this copy changes nothing except your own understanding.
"""

import jax, jax.numpy as jnp
import numpy as np

N_GEN = 16
C = 8
M = 10
OUT = 10
N_NODES = 100000
N_EDGES = 3200000
N_GRAPHS = 1000


def make_contrastive(n_gen):
    # all ordered pairs (i, j), i < j: column has +1 at i, -1 at j
    pairs = [(i, j) for i in range(n_gen) for j in range(i + 1, n_gen)]
    mat = np.zeros((n_gen, len(pairs)), dtype=np.float32)
    for k, (i, j) in enumerate(pairs):
        mat[i, k] = 1.0
        mat[j, k] = -1.0
    return jnp.asarray(mat)


def setup_inputs(seed: int = 0):
    key = jax.random.key(seed)
    k1, k2, k3, k4, k5, k6 = jax.random.split(key, 6)
    x = jax.random.randint(k1, (N_NODES,), 0, M)
    edge_index = jax.random.randint(k2, (2, N_EDGES), 0, N_NODES)
    batch = jnp.sort(jax.random.randint(k3, (N_NODES,), 0, N_GRAPHS))
    # CGMM layer-0 parameters: n_gen generative models, each a mixture of
    # C hidden states with categorical emissions over M symbols
    prior = jax.nn.softmax(jax.random.normal(k4, (N_GEN, C)), axis=-1)
    emission = jax.nn.softmax(jax.random.normal(k5, (N_GEN, C, M)), axis=-1)
    contrastive = make_contrastive(N_GEN)
    n_pairs = contrastive.shape[1]  # 120 for n_gen=16
    W = jax.random.normal(k6, (OUT, n_pairs)) * 0.05
    b = jnp.zeros((OUT,), dtype=jnp.float32)
    return {"x": x, "edge_index": edge_index, "batch": batch,
            "prior": prior, "emission": emission,
            "contrastive": contrastive, "W": W, "b": b}


def reference(x, edge_index, batch, prior, emission, contrastive, W, b):
    # --- CGMM (single layer 0): per-node log-likelihood under each generator ---
    # edge_index is only consumed by layers > 0 (after stack_layer); with the
    # freshly-constructed module there is exactly one layer, so it is unused.
    em_x = emission[:, :, x]                       # gather: [n_gen, C, N]
    lik = jnp.einsum('gc,gcn->ng', prior, em_x)    # [N, n_gen]
    log_lik = jnp.log(lik + 1e-12)[:, None, :]     # [N, n_layers=1, n_gen]
    # --- scatter(log_likelihood, batch, dim=0): per-graph sum ---
    graph_ll = jax.ops.segment_sum(log_lik, batch, num_segments=N_GRAPHS)  # [G,1,n_gen]
    # --- BatchNorm1d(n_gen, affine=False), training mode (batch stats) ---
    ll0 = graph_ll[:, 0]                            # [G, n_gen]
    mean = jnp.mean(ll0, axis=0)
    var = jnp.var(ll0, axis=0)                      # biased, as torch BN uses in fwd
    bn = (ll0 - mean) / jnp.sqrt(var + 1e-5)
    b_norm_lhood = bn[:, None, :]                   # [G, 1, n_gen]
    # --- contrastive neurons (detached in the original) ---
    c = jnp.tanh(b_norm_lhood @ contrastive)        # [G, 1, n_pairs]
    c = jax.lax.stop_gradient(c)
    c = c.reshape(c.shape[0], -1)                   # [G, n_pairs * n_layers]
    return c @ W.T + b                              # [G, out_features]

if __name__ == "__main__":
    import jax
    _d = setup_inputs()
    print(jax.jit(kernel)(*tuple(_d.values())))

</pallas_src>

<mosaic_0001>
#map = affine_map<(d0, d1) -> (0)>
#map1 = affine_map<(d0, d1) -> (0, 0)>
module attributes {stable_mosaic.version = 14 : i64} {
  func.func @_sc_hist(%arg0: i32, %arg1: i32, %arg2: memref<100000xi32, #tpu.memory_space<hbm>>, %arg3: memref<100000xi32, #tpu.memory_space<hbm>>, %arg4: memref<32x16384xf32, #tpu.memory_space<hbm>>, %arg5: memref<3136xi32, #tpu.memory_space<vmem>>, %arg6: memref<3136xi32, #tpu.memory_space<vmem>>, %arg7: memref<16384xf32, #tpu.memory_space<vmem>>, %arg8: memref<!tpu.dma_semaphore, #tpu.memory_space<semaphore_mem>>, %arg9: memref<!tpu.dma_semaphore, #tpu.memory_space<semaphore_mem>>) attributes {dimension_semantics = [#tpu.dimension_semantics<core_parallel>, #tpu.dimension_semantics<subcore_parallel>], iteration_bounds = array<i64: 2, 16>, scalar_prefetch = 0 : i64, scratch_operands = 5 : i64, tpu.core_type = #tpu.core_type<sc_vector_subcore>, window_params = [{transform_indices = #map}, {transform_indices = #map}, {transform_indices = #map1}]} {
    %mul3A = arith.constant 2 : i32
    %mul3A_0 = arith.muli %arg1, %mul3A : i32
    %add3A = arith.addi %mul3A_0, %arg0 : i32
    %eq3A = arith.constant 31 : i32
    %eq3A_1 = arith.cmpi eq, %add3A, %eq3A : i32
    %mul3A_2 = arith.constant 3136 : i32
    %mul3A_3 = arith.muli %add3A, %mul3A_2 : i32
    %jit3A = arith.constant 96864 : i32
    %select_n3A = arith.select %eq3A_1, %jit3A, %mul3A_3 : i32
    %dma_start3A = tpu.memref_slice %arg2[%select_n3A] : memref<100000xi32, #tpu.memory_space<hbm>> -> memref<3136xi32, #tpu.memory_space<hbm>>
    %dma_start3A_4 = tpu.memref_slice %arg2[%select_n3A] : memref<100000xi32, #tpu.memory_space<hbm>> -> memref<3136xi32, #tpu.memory_space<hbm>>
    tpu.enqueue_dma source(%dma_start3A_4 : memref<3136xi32, #tpu.memory_space<hbm>>) target(%arg5 : memref<3136xi32, #tpu.memory_space<vmem>>) target_semaphore(%arg8 : memref<!tpu.dma_semaphore, #tpu.memory_space<semaphore_mem>>)
    %dma_start3A_5 = tpu.memref_slice %arg3[%select_n3A] : memref<100000xi32, #tpu.memory_space<hbm>> -> memref<3136xi32, #tpu.memory_space<hbm>>
    %dma_start3A_6 = tpu.memref_slice %arg3[%select_n3A] : memref<100000xi32, #tpu.memory_space<hbm>> -> memref<3136xi32, #tpu.memory_space<hbm>>
    tpu.enqueue_dma source(%dma_start3A_6 : memref<3136xi32, #tpu.memory_space<hbm>>) target(%arg6 : memref<3136xi32, #tpu.memory_space<vmem>>) target_semaphore(%arg9 : memref<!tpu.dma_semaphore, #tpu.memory_space<semaphore_mem>>)
    %broadcast_in_dim3A = arith.constant 0.000000e+00 : f32
    %broadcast_in_dim3A_7 = vector.broadcast %broadcast_in_dim3A : f32 to vector<16xf32>
    %scan3A = arith.constant 0 : i32
    %scan3A_8 = arith.constant 0 : i32
    %scan3A_9 = arith.constant 128 : i32
    %scan3A_10 = arith.addi %scan3A_8, %scan3A_9 : i32
    %scan3A_11 = arith.constant 1 : i32
    %scan3A_12 = scf.for %scan3A_29 = %scan3A_8 to %scan3A_10 step %scan3A_11 iter_args(%scan3A_30 = %scan3A) -> (i32)  : i32 {
      %mul3A_31 = arith.constant 128 : i32
      %mul3A_32 = arith.muli %scan3A_29, %mul3A_31 : i32
      %add3A_33 = arith.constant 0 : i32
      %add3A_34 = arith.addi %mul3A_32, %add3A_33 : i32
      %swap3A = arith.index_cast %add3A_34 : i32 to index
      %swap3A_35 = tpu.vector_load %arg7[%swap3A] {strides = array<i32>} : memref<16384xf32, #tpu.memory_space<vmem>>, vector<16xf32>,
      tpu.vector_store %arg7[%swap3A], %broadcast_in_dim3A_7 {strides = array<i32>} : memref<16384xf32, #tpu.memory_space<vmem>>, vector<16xf32>,
      %add3A_36 = arith.constant 16 : i32
      %add3A_37 = arith.addi %mul3A_32, %add3A_36 : i32
      %swap3A_38 = arith.index_cast %add3A_37 : i32 to index
      %swap3A_39 = tpu.vector_load %arg7[%swap3A_38] {strides = array<i32>} : memref<16384xf32, #tpu.memory_space<vmem>>, vector<16xf32>,
      tpu.vector_store %arg7[%swap3A_38], %broadcast_in_dim3A_7 {strides = array<i32>} : memref<16384xf32, #tpu.memory_space<vmem>>, vector<16xf32>,
      %add3A_40 = arith.constant 32 : i32
      %add3A_41 = arith.addi %mul3A_32, %add3A_40 : i32
      %swap3A_42 = arith.index_cast %add3A_41 : i32 to index
      %swap3A_43 = tpu.vector_load %arg7[%swap3A_42] {strides = array<i32>} : memref<16384xf32, #tpu.memory_space<vmem>>, vector<16xf32>,
      tpu.vector_store %arg7[%swap3A_42], %broadcast_in_dim3A_7 {strides = array<i32>} : memref<16384xf32, #tpu.memory_space<vmem>>, vector<16xf32>,
      %add3A_44 = arith.constant 48 : i32
      %add3A_45 = arith.addi %mul3A_32, %add3A_44 : i32
      %swap3A_46 = arith.index_cast %add3A_45 : i32 to index
      %swap3A_47 = tpu.vector_load %arg7[%swap3A_46] {strides = array<i32>} : memref<16384xf32, #tpu.memory_space<vmem>>, vector<16xf32>,
      tpu.vector_store %arg7[%swap3A_46], %broadcast_in_dim3A_7 {strides = array<i32>} : memref<16384xf32, #tpu.memory_space<vmem>>, vector<16xf32>,
      %add3A_48 = arith.constant 64 : i32
      %add3A_49 = arith.addi %mul3A_32, %add3A_48 : i32
      %swap3A_50 = arith.index_cast %add3A_49 : i32 to index
      %swap3A_51 = tpu.vector_load %arg7[%swap3A_50] {strides = array<i32>} : memref<16384xf32, #tpu.memory_space<vmem>>, vector<16xf32>,
      tpu.vector_store %arg7[%swap3A_50], %broadcast_in_dim3A_7 {strides = array<i32>} : memref<16384xf32, #tpu.memory_space<vmem>>, vector<16xf32>,
      %add3A_52 = arith.constant 80 : i32
      %add3A_53 = arith.addi %mul3A_32, %add3A_52 : i32
      %swap3A_54 = arith.index_cast %add3A_53 : i32 to index
      %swap3A_55 = tpu.vector_load %arg7[%swap3A_54] {strides = array<i32>} : memref<16384xf32, #tpu.memory_space<vmem>>, vector<16xf32>,
      tpu.vector_store %arg7[%swap3A_54], %broadcast_in_dim3A_7 {strides = array<i32>} : memref<16384xf32, #tpu.memory_space<vmem>>, vector<16xf32>,
      %add3A_56 = arith.constant 96 : i32
      %add3A_57 = arith.addi %mul3A_32, %add3A_56 : i32
      %swap3A_58 = arith.index_cast %add3A_57 : i32 to index
      %swap3A_59 = tpu.vector_load %arg7[%swap3A_58] {strides = array<i32>} : memref<16384xf32, #tpu.memory_space<vmem>>, vector<16xf32>,
      tpu.vector_store %arg7[%swap3A_58], %broadcast_in_dim3A_7 {strides = array<i32>} : memref<16384xf32, #tpu.memory_space<vmem>>, vector<16xf32>,
      %add3A_60 = arith.constant 112 : i32
      %add3A_61 = arith.addi %mul3A_32, %add3A_60 : i32
      %swap3A_62 = arith.index_cast %add3A_61 : i32 to index
      %swap3A_63 = tpu.vector_load %arg7[%swap3A_62] {strides = array<i32>} : memref<16384xf32, #tpu.memory_space<vmem>>, vector<16xf32>,
      tpu.vector_store %arg7[%swap3A_62], %broadcast_in_dim3A_7 {strides = array<i32>} : memref<16384xf32, #tpu.memory_space<vmem>>, vector<16xf32>,
      %scan3A_64 = arith.constant 0 : i32
      scf.yield %scan3A_64 : i32
    }
    %scan3A_13 = arith.constant 128 : i32
    %dma_wait3A = tpu.memref_slice %arg2[%select_n3A] : memref<100000xi32, #tpu.memory_space<hbm>> -> memref<3136xi32, #tpu.memory_space<hbm>>
    %dma_wait3A_14 = tpu.memref_slice %arg2[%select_n3A] : memref<100000xi32, #tpu.memory_space<hbm>> -> memref<3136xi32, #tpu.memory_space<hbm>>
    tpu.wait_dma2 semaphore(%arg8 : memref<!tpu.dma_semaphore, #tpu.memory_space<semaphore_mem>>) src(%dma_wait3A_14 : memref<3136xi32, #tpu.memory_space<hbm>>) dst(%arg5 : memref<3136xi32, #tpu.memory_space<vmem>>)
    %dma_wait3A_15 = tpu.memref_slice %arg3[%select_n3A] : memref<100000xi32, #tpu.memory_space<hbm>> -> memref<3136xi32, #tpu.memory_space<hbm>>
    %dma_wait3A_16 = tpu.memref_slice %arg3[%select_n3A] : memref<100000xi32, #tpu.memory_space<hbm>> -> memref<3136xi32, #tpu.memory_space<hbm>>
    tpu.wait_dma2 semaphore(%arg9 : memref<!tpu.dma_semaphore, #tpu.memory_space<semaphore_mem>>) src(%dma_wait3A_16 : memref<3136xi32, #tpu.memory_space<hbm>>) dst(%arg6 : memref<3136xi32, #tpu.memory_space<vmem>>)
    %broadcast_in_dim3A_17 = arith.constant 1.000000e+00 : f32
    %broadcast_in_dim3A_18 = vector.broadcast %broadcast_in_dim3A_17 : f32 to vector<16xf32>
    %iota3A = tpu.iota {dimensions = array<i32: 0>} : vector<16xi32>
    %jit3A_19 = arith.constant 352 : i32
    %jit3A_20 = arith.constant 0 : i32
    %select_n3A_21 = arith.select %eq3A_1, %jit3A_19, %jit3A_20 : i32
    %scan3A_22 = arith.constant 0 : i32
    %scan3A_23 = arith.constant 0 : i32
    %scan3A_24 = arith.constant 49 : i32
    %scan3A_25 = arith.addi %scan3A_23, %scan3A_24 : i32
    %scan3A_26 = arith.constant 1 : i32
    %scan3A_27 = scf.for %scan3A_29 = %scan3A_23 to %scan3A_25 step %scan3A_26 iter_args(%scan3A_30 = %scan3A_22) -> (i32)  : i32 {
      %mul3A_31 = arith.constant 64 : i32
      %mul3A_32 = arith.muli %scan3A_29, %mul3A_31 : i32
      %add3A_33 = arith.constant 0 : i32
      %add3A_34 = arith.addi %mul3A_32, %add3A_33 : i32
      %get3A = arith.index_cast %add3A_34 : i32 to index
      %get3A_35 = tpu.vector_load %arg5[%get3A] {strides = array<i32>} : memref<3136xi32, #tpu.memory_space<vmem>>, vector<16xi32>,
      %get3A_36 = arith.index_cast %add3A_34 : i32 to index
      %get3A_37 = tpu.vector_load %arg6[%get3A_36] {strides = array<i32>} : memref<3136xi32, #tpu.memory_space<vmem>>, vector<16xi32>,
      %mul3A_38 = arith.constant 16 : i32
      %mul3A_39 = vector.broadcast %mul3A_38 : i32 to vector<16xi32>
      %mul3A_40 = arith.muli %get3A_37, %mul3A_39 : vector<16xi32>
      %add3A_41 = arith.addi %mul3A_40, %get3A_35 : vector<16xi32>
      %add3A_42 = vector.broadcast %add3A_34 : i32 to vector<16xi32>
      %add3A_43 = arith.addi %iota3A, %add3A_42 : vector<16xi32>
      %ge3A = vector.broadcast %select_n3A_21 : i32 to vector<16xi32>
      %ge3A_44 = arith.cmpi sge, %add3A_43, %ge3A : vector<16xi32>
      tpu.vector_store_idx %arg7[%add3A_41], %broadcast_in_dim3A_18 masked %ge3A_44 {add = true} : memref<16384xf32, #tpu.memory_space<vmem>>[vector<16xi32>], vector<16xf32>, vector<16xi1>
      %add3A_45 = arith.constant 16 : i32
      %add3A_46 = arith.addi %mul3A_32, %add3A_45 : i32
      %get3A_47 = arith.index_cast %add3A_46 : i32 to index
      %get3A_48 = tpu.vector_load %arg5[%get3A_47] {strides = array<i32>} : memref<3136xi32, #tpu.memory_space<vmem>>, vector<16xi32>,
      %get3A_49 = arith.index_cast %add3A_46 : i32 to index
      %get3A_50 = tpu.vector_load %arg6[%get3A_49] {strides = array<i32>} : memref<3136xi32, #tpu.memory_space<vmem>>, vector<16xi32>,
      %mul3A_51 = arith.constant 16 : i32
      %mul3A_52 = vector.broadcast %mul3A_51 : i32 to vector<16xi32>
      %mul3A_53 = arith.muli %get3A_50, %mul3A_52 : vector<16xi32>
      %add3A_54 = arith.addi %mul3A_53, %get3A_48 : vector<16xi32>
      %add3A_55 = vector.broadcast %add3A_46 : i32 to vector<16xi32>
      %add3A_56 = arith.addi %iota3A, %add3A_55 : vector<16xi32>
      %ge3A_57 = vector.broadcast %select_n3A_21 : i32 to vector<16xi32>
      %ge3A_58 = arith.cmpi sge, %add3A_56, %ge3A_57 : vector<16xi32>
      tpu.vector_store_idx %arg7[%add3A_54], %broadcast_in_dim3A_18 masked %ge3A_58 {add = true} : memref<16384xf32, #tpu.memory_space<vmem>>[vector<16xi32>], vector<16xf32>, vector<16xi1>
      %add3A_59 = arith.constant 32 : i32
      %add3A_60 = arith.addi %mul3A_32, %add3A_59 : i32
      %get3A_61 = arith.index_cast %add3A_60 : i32 to index
      %get3A_62 = tpu.vector_load %arg5[%get3A_61] {strides = array<i32>} : memref<3136xi32, #tpu.memory_space<vmem>>, vector<16xi32>,
      %get3A_63 = arith.index_cast %add3A_60 : i32 to index
      %get3A_64 = tpu.vector_load %arg6[%get3A_63] {strides = array<i32>} : memref<3136xi32, #tpu.memory_space<vmem>>, vector<16xi32>,
      %mul3A_65 = arith.constant 16 : i32
      %mul3A_66 = vector.broadcast %mul3A_65 : i32 to vector<16xi32>
      %mul3A_67 = arith.muli %get3A_64, %mul3A_66 : vector<16xi32>
      %add3A_68 = arith.addi %mul3A_67, %get3A_62 : vector<16xi32>
      %add3A_69 = vector.broadcast %add3A_60 : i32 to vector<16xi32>
      %add3A_70 = arith.addi %iota3A, %add3A_69 : vector<16xi32>
      %ge3A_71 = vector.broadcast %select_n3A_21 : i32 to vector<16xi32>
      %ge3A_72 = arith.cmpi sge, %add3A_70, %ge3A_71 : vector<16xi32>
      tpu.vector_store_idx %arg7[%add3A_68], %broadcast_in_dim3A_18 masked %ge3A_72 {add = true} : memref<16384xf32, #tpu.memory_space<vmem>>[vector<16xi32>], vector<16xf32>, vector<16xi1>
      %add3A_73 = arith.constant 48 : i32
      %add3A_74 = arith.addi %mul3A_32, %add3A_73 : i32
      %get3A_75 = arith.index_cast %add3A_74 : i32 to index
      %get3A_76 = tpu.vector_load %arg5[%get3A_75] {strides = array<i32>} : memref<3136xi32, #tpu.memory_space<vmem>>, vector<16xi32>,
      %get3A_77 = arith.index_cast %add3A_74 : i32 to index
      %get3A_78 = tpu.vector_load %arg6[%get3A_77] {strides = array<i32>} : memref<3136xi32, #tpu.memory_space<vmem>>, vector<16xi32>,
      %mul3A_79 = arith.constant 16 : i32
      %mul3A_80 = vector.broadcast %mul3A_79 : i32 to vector<16xi32>
      %mul3A_81 = arith.muli %get3A_78, %mul3A_80 : vector<16xi32>
      %add3A_82 = arith.addi %mul3A_81, %get3A_76 : vector<16xi32>
      %add3A_83 = vector.broadcast %add3A_74 : i32 to vector<16xi32>
      %add3A_84 = arith.addi %iota3A, %add3A_83 : vector<16xi32>
      %ge3A_85 = vector.broadcast %select_n3A_21 : i32 to vector<16xi32>
      %ge3A_86 = arith.cmpi sge, %add3A_84, %ge3A_85 : vector<16xi32>
      tpu.vector_store_idx %arg7[%add3A_82], %broadcast_in_dim3A_18 masked %ge3A_86 {add = true} : memref<16384xf32, #tpu.memory_space<vmem>>[vector<16xi32>], vector<16xf32>, vector<16xi1>
      %scan3A_87 = arith.constant 0 : i32
      scf.yield %scan3A_87 : i32
    }
    %scan3A_28 = arith.constant 49 : i32
    "tpu.region"() ({
      %run_scoped3A = tpu.sem_alloc : memref<!tpu.dma_semaphore, #tpu.memory_space<semaphore_mem>>
      %dma_start3A_29 = arith.constant 0 : i32
      %dma_start3A_30 = tpu.memref_slice %arg4[%add3A, %dma_start3A_29] : memref<32x16384xf32, #tpu.memory_space<hbm>> -> memref<1x16384xf32, #tpu.memory_space<hbm>>
      %dma_start3A_31 = tpu.memref_squeeze %dma_start3A_30 : memref<1x16384xf32, #tpu.memory_space<hbm>> -> memref<16384xf32, #tpu.memory_space<hbm>>
      %dma_start3A_32 = arith.constant 0 : i32
      %dma_start3A_33 = tpu.memref_slice %arg4[%add3A, %dma_start3A_32] : memref<32x16384xf32, #tpu.memory_space<hbm>> -> memref<1x16384xf32, #tpu.memory_space<hbm>>
      %dma_start3A_34 = tpu.memref_squeeze %dma_start3A_33 : memref<1x16384xf32, #tpu.memory_space<hbm>> -> memref<16384xf32, #tpu.memory_space<hbm>>
      tpu.enqueue_dma source(%arg7 : memref<16384xf32, #tpu.memory_space<vmem>>) target(%dma_start3A_34 : memref<16384xf32, #tpu.memory_space<hbm>>) target_semaphore(%run_scoped3A : memref<!tpu.dma_semaphore, #tpu.memory_space<semaphore_mem>>)
      %dma_wait3A_35 = arith.constant 0 : i32
      %dma_wait3A_36 = tpu.memref_slice %arg4[%add3A, %dma_wait3A_35] : memref<32x16384xf32, #tpu.memory_space<hbm>> -> memref<1x16384xf32, #tpu.memory_space<hbm>>
      %dma_wait3A_37 = tpu.memref_squeeze %dma_wait3A_36 : memref<1x16384xf32, #tpu.memory_space<hbm>> -> memref<16384xf32, #tpu.memory_space<hbm>>
      %dma_wait3A_38 = arith.constant 0 : i32
      %dma_wait3A_39 = tpu.memref_slice %arg4[%add3A, %dma_wait3A_38] : memref<32x16384xf32, #tpu.memory_space<hbm>> -> memref<1x16384xf32, #tpu.memory_space<hbm>>
      %dma_wait3A_40 = tpu.memref_squeeze %dma_wait3A_39 : memref<1x16384xf32, #tpu.memory_space<hbm>> -> memref<16384xf32, #tpu.memory_space<hbm>>
      tpu.wait_dma2 semaphore(%run_scoped3A : memref<!tpu.dma_semaphore, #tpu.memory_space<semaphore_mem>>) src(%arg7 : memref<16384xf32, #tpu.memory_space<vmem>>) dst(%dma_wait3A_40 : memref<16384xf32, #tpu.memory_space<hbm>>)
      tpu.yield
    }) : () -> ()
    return
  }
}

module attributes {stable_mosaic.version = 14 : i64} {
  func.func @_tc_tail_body(%arg0: memref<32x1024x16xf32, #tpu.memory_space<vmem>>, %arg1: memref<16x8xf32, #tpu.memory_space<vmem>>, %arg2: memref<16x8x10xf32, #tpu.memory_space<vmem>>, %arg3: memref<16x120xf32, #tpu.memory_space<vmem>>, %arg4: memref<10x120xf32, #tpu.memory_space<vmem>>, %arg5: memref<1x10xf32, #tpu.memory_space<vmem>>, %arg6: memref<1000x10xf32, #tpu.memory_space<vmem>>) attributes {dimension_semantics = [], scalar_prefetch = 0 : i64, scratch_operands = 0 : i64, tpu.core_type = #tpu.core_type<tc>} {
    %get3A = arith.constant 0 : index
    %get3A_0 = arith.constant 0 : index
    %get3A_1 = arith.constant 0 : index
    %get3A_2 = vector.load %arg0[%get3A, %get3A_0, %get3A_1] : memref<32x1024x16xf32, #tpu.memory_space<vmem>>, vector<32x1024x16xf32>
    %reduce_sum3A = arith.constant dense<0.000000e+00> : vector<1024x16xf32>
    %reduce_sum3A_3 = vector.multi_reduction <add>, %get3A_2, %reduce_sum3A [0] : vector<32x1024x16xf32> to vector<1024x16xf32>
    %get3A_4 = arith.constant 0 : index
    %get3A_5 = arith.constant 0 : index
    %get3A_6 = vector.load %arg1[%get3A_4, %get3A_5] : memref<16x8xf32, #tpu.memory_space<vmem>>, vector<16x8xf32>
    %get3A_7 = arith.constant 0 : index
    %get3A_8 = arith.constant 0 : index
    %get3A_9 = arith.constant 0 : index
    %get3A_10 = vector.load %arg2[%get3A_7, %get3A_8, %get3A_9] : memref<16x8x10xf32, #tpu.memory_space<vmem>>, vector<16x8x10xf32>
    %broadcast_in_dim3A = arith.constant 0.000000e+00 : f32
    %broadcast_in_dim3A_11 = vector.broadcast %broadcast_in_dim3A : f32 to vector<16x10xf32>
    %slice3A = vector.extract_strided_slice %get3A_6 {offsets = [0, 0], sizes = [16, 1], strides = [1, 1]} : vector<16x8xf32> to vector<16x1xf32>
    %slice3A_12 = vector.extract_strided_slice %get3A_10 {offsets = [0, 0, 0], sizes = [16, 1, 10], strides = [1, 1, 1]} : vector<16x8x10xf32> to vector<16x1x10xf32>
    %squeeze3A = vector.shape_cast %slice3A_12 : vector<16x1x10xf32> to vector<16x10xf32>
    %mul3A = vector.broadcast %slice3A : vector<16x1xf32> to vector<16x10xf32>
    %mul3A_13 = arith.mulf %mul3A, %squeeze3A : vector<16x10xf32>
    %add3A = arith.addf %broadcast_in_dim3A_11, %mul3A_13 : vector<16x10xf32>
    %slice3A_14 = vector.extract_strided_slice %get3A_6 {offsets = [0, 1], sizes = [16, 1], strides = [1, 1]} : vector<16x8xf32> to vector<16x1xf32>
    %slice3A_15 = vector.extract_strided_slice %get3A_10 {offsets = [0, 1, 0], sizes = [16, 1, 10], strides = [1, 1, 1]} : vector<16x8x10xf32> to vector<16x1x10xf32>
    %squeeze3A_16 = vector.shape_cast %slice3A_15 : vector<16x1x10xf32> to vector<16x10xf32>
    %mul3A_17 = vector.broadcast %slice3A_14 : vector<16x1xf32> to vector<16x10xf32>
    %mul3A_18 = arith.mulf %mul3A_17, %squeeze3A_16 : vector<16x10xf32>
    %add3A_19 = arith.addf %add3A, %mul3A_18 : vector<16x10xf32>
    %slice3A_20 = vector.extract_strided_slice %get3A_6 {offsets = [0, 2], sizes = [16, 1], strides = [1, 1]} : vector<16x8xf32> to vector<16x1xf32>
    %slice3A_21 = vector.extract_strided_slice %get3A_10 {offsets = [0, 2, 0], sizes = [16, 1, 10], strides = [1, 1, 1]} : vector<16x8x10xf32> to vector<16x1x10xf32>
    %squeeze3A_22 = vector.shape_cast %slice3A_21 : vector<16x1x10xf32> to vector<16x10xf32>
    %mul3A_23 = vector.broadcast %slice3A_20 : vector<16x1xf32> to vector<16x10xf32>
    %mul3A_24 = arith.mulf %mul3A_23, %squeeze3A_22 : vector<16x10xf32>
    %add3A_25 = arith.addf %add3A_19, %mul3A_24 : vector<16x10xf32>
    %slice3A_26 = vector.extract_strided_slice %get3A_6 {offsets = [0, 3], sizes = [16, 1], strides = [1, 1]} : vector<16x8xf32> to vector<16x1xf32>
    %slice3A_27 = vector.extract_strided_slice %get3A_10 {offsets = [0, 3, 0], sizes = [16, 1, 10], strides = [1, 1, 1]} : vector<16x8x10xf32> to vector<16x1x10xf32>
    %squeeze3A_28 = vector.shape_cast %slice3A_27 : vector<16x1x10xf32> to vector<16x10xf32>
    %mul3A_29 = vector.broadcast %slice3A_26 : vector<16x1xf32> to vector<16x10xf32>
    %mul3A_30 = arith.mulf %mul3A_29, %squeeze3A_28 : vector<16x10xf32>
    %add3A_31 = arith.addf %add3A_25, %mul3A_30 : vector<16x10xf32>
    %slice3A_32 = vector.extract_strided_slice %get3A_6 {offsets = [0, 4], sizes = [16, 1], strides = [1, 1]} : vector<16x8xf32> to vector<16x1xf32>
    %slice3A_33 = vector.extract_strided_slice %get3A_10 {offsets = [0, 4, 0], sizes = [16, 1, 10], strides = [1, 1, 1]} : vector<16x8x10xf32> to vector<16x1x10xf32>
    %squeeze3A_34 = vector.shape_cast %slice3A_33 : vector<16x1x10xf32> to vector<16x10xf32>
    %mul3A_35 = vector.broadcast %slice3A_32 : vector<16x1xf32> to vector<16x10xf32>
    %mul3A_36 = arith.mulf %mul3A_35, %squeeze3A_34 : vector<16x10xf32>
    %add3A_37 = arith.addf %add3A_31, %mul3A_36 : vector<16x10xf32>
    %slice3A_38 = vector.extract_strided_slice %get3A_6 {offsets = [0, 5], sizes = [16, 1], strides = [1, 1]} : vector<16x8xf32> to vector<16x1xf32>
    %slice3A_39 = vector.extract_strided_slice %get3A_10 {offsets = [0, 5, 0], sizes = [16, 1, 10], strides = [1, 1, 1]} : vector<16x8x10xf32> to vector<16x1x10xf32>
    %squeeze3A_40 = vector.shape_cast %slice3A_39 : vector<16x1x10xf32> to vector<16x10xf32>
    %mul3A_41 = vector.broadcast %slice3A_38 : vector<16x1xf32> to vector<16x10xf32>
    %mul3A_42 = arith.mulf %mul3A_41, %squeeze3A_40 : vector<16x10xf32>
    %add3A_43 = arith.addf %add3A_37, %mul3A_42 : vector<16x10xf32>
    %slice3A_44 = vector.extract_strided_slice %get3A_6 {offsets = [0, 6], sizes = [16, 1], strides = [1, 1]} : vector<16x8xf32> to vector<16x1xf32>
    %slice3A_45 = vector.extract_strided_slice %get3A_10 {offsets = [0, 6, 0], sizes = [16, 1, 10], strides = [1, 1, 1]} : vector<16x8x10xf32> to vector<16x1x10xf32>
    %squeeze3A_46 = vector.shape_cast %slice3A_45 : vector<16x1x10xf32> to vector<16x10xf32>
    %mul3A_47 = vector.broadcast %slice3A_44 : vector<16x1xf32> to vector<16x10xf32>
    %mul3A_48 = arith.mulf %mul3A_47, %squeeze3A_46 : vector<16x10xf32>
    %add3A_49 = arith.addf %add3A_43, %mul3A_48 : vector<16x10xf32>
    %slice3A_50 = vector.extract_strided_slice %get3A_6 {offsets = [0, 7], sizes = [16, 1], strides = [1, 1]} : vector<16x8xf32> to vector<16x1xf32>
    %slice3A_51 = vector.extract_strided_slice %get3A_10 {offsets = [0, 7, 0], sizes = [16, 1, 10], strides = [1, 1, 1]} : vector<16x8x10xf32> to vector<16x1x10xf32>
    %squeeze3A_52 = vector.shape_cast %slice3A_51 : vector<16x1x10xf32> to vector<16x10xf32>
    %mul3A_53 = vector.broadcast %slice3A_50 : vector<16x1xf32> to vector<16x10xf32>
    %mul3A_54 = arith.mulf %mul3A_53, %squeeze3A_52 : vector<16x10xf32>
    %add3A_55 = arith.addf %add3A_49, %mul3A_54 : vector<16x10xf32>
    %add3A_56 = arith.constant 9.99999996E-13 : f32
    %add3A_57 = vector.broadcast %add3A_56 : f32 to vector<16x10xf32>
    %add3A_58 = arith.addf %add3A_55, %add3A_57 : vector<16x10xf32>
    %log3A = math.log %add3A_58 : vector<16x10xf32>
    %slice3A_59 = vector.extract_strided_slice %reduce_sum3A_3 {offsets = [0, 0], sizes = [1024, 10], strides = [1, 1]} : vector<1024x16xf32> to vector<1024x10xf32>
    %dot_general3A = arith.constant dense<0.000000e+00> : vector<1024x16xf32>
    %dot_general3A_60 = tpu.matmul %slice3A_59, %log3A, %dot_general3A {dimension_numbers = #tpu.dot_dimension_numbers<[1], [1], [0], [0], [0, 0, 1, 0], [], []>, precision = #tpu.contract_precision<fp32>, transpose_lhs_hint = false} : vector<1024x10xf32>, vector<16x10xf32>, vector<1024x16xf32> -> vector<1024x16xf32>
    %iota3A = tpu.iota {dimensions = array<i32: 0>} : vector<1024x16xi32>
    %lt3A = arith.constant 1000 : i32
    %lt3A_61 = vector.broadcast %lt3A : i32 to vector<1024x16xi32>
    %lt3A_62 = arith.cmpi slt, %iota3A, %lt3A_61 : vector<1024x16xi32>
    %jit3A = arith.constant 0.000000e+00 : f32
    %broadcast_in_dim3A_63 = vector.broadcast %jit3A : f32 to vector<1024x16xf32>
    %select_n3A = arith.select %lt3A_62, %dot_general3A_60, %broadcast_in_dim3A_63 : vector<1024x16xi1>, vector<1024x16xf32>
    %reduce_sum3A_64 = arith.constant dense<0.000000e+00> : vector<16xf32>
    %reduce_sum3A_65 = vector.multi_reduction <add>, %select_n3A, %reduce_sum3A_64 [0] : vector<1024x16xf32> to vector<16xf32>
    %broadcast_in_dim3A_66 = vector.shape_cast %reduce_sum3A_65 : vector<16xf32> to vector<1x16xf32>
    %div3A = arith.constant 1.000000e+03 : f32
    %div3A_67 = vector.broadcast %div3A : f32 to vector<1x16xf32>
    %div3A_68 = arith.divf %broadcast_in_dim3A_66, %div3A_67 : vector<1x16xf32>
    %sub3A = vector.broadcast %div3A_68 : vector<1x16xf32> to vector<1024x16xf32>
    %sub3A_69 = arith.subf %dot_general3A_60, %sub3A : vector<1024x16xf32>
    %jit3A_70 = arith.constant 0.000000e+00 : f32
    %broadcast_in_dim3A_71 = vector.broadcast %jit3A_70 : f32 to vector<1024x16xf32>
    %select_n3A_72 = arith.select %lt3A_62, %sub3A_69, %broadcast_in_dim3A_71 : vector<1024x16xi1>, vector<1024x16xf32>
    %mul3A_73 = arith.mulf %select_n3A_72, %select_n3A_72 : vector<1024x16xf32>
    %reduce_sum3A_74 = arith.constant dense<0.000000e+00> : vector<16xf32>
    %reduce_sum3A_75 = vector.multi_reduction <add>, %mul3A_73, %reduce_sum3A_74 [0] : vector<1024x16xf32> to vector<16xf32>
    %broadcast_in_dim3A_76 = vector.shape_cast %reduce_sum3A_75 : vector<16xf32> to vector<1x16xf32>
    %div3A_77 = arith.constant 1.000000e+03 : f32
    %div3A_78 = vector.broadcast %div3A_77 : f32 to vector<1x16xf32>
    %div3A_79 = arith.divf %broadcast_in_dim3A_76, %div3A_78 : vector<1x16xf32>
    %sub3A_80 = vector.broadcast %div3A_68 : vector<1x16xf32> to vector<1024x16xf32>
    %sub3A_81 = arith.subf %dot_general3A_60, %sub3A_80 : vector<1024x16xf32>
    %add3A_82 = arith.constant 9.99999974E-6 : f32
    %add3A_83 = vector.broadcast %add3A_82 : f32 to vector<1x16xf32>
    %add3A_84 = arith.addf %div3A_79, %add3A_83 : vector<1x16xf32>
    %sqrt3A = math.sqrt %add3A_84 : vector<1x16xf32>
    %div3A_85 = vector.broadcast %sqrt3A : vector<1x16xf32> to vector<1024x16xf32>
    %div3A_86 = arith.divf %sub3A_81, %div3A_85 : vector<1024x16xf32>
    %get3A_87 = arith.constant 0 : index
    %get3A_88 = arith.constant 0 : index
    %get3A_89 = vector.load %arg3[%get3A_87, %get3A_88] : memref<16x120xf32, #tpu.memory_space<vmem>>, vector<16x120xf32>
    %dot_general3A_90 = arith.constant dense<0.000000e+00> : vector<1024x120xf32>
    %dot_general3A_91 = tpu.matmul %div3A_86, %get3A_89, %dot_general3A_90 {dimension_numbers = #tpu.dot_dimension_numbers<[1], [0], [0], [1], [0, 0, 1, 1], [], []>, transpose_lhs_hint = false} : vector<1024x16xf32>, vector<16x120xf32>, vector<1024x120xf32> -> vector<1024x120xf32>
    %tanh3A = math.tanh %dot_general3A_91 : vector<1024x120xf32>
    %get3A_92 = arith.constant 0 : index
    %get3A_93 = arith.constant 0 : index
    %get3A_94 = vector.load %arg4[%get3A_92, %get3A_93] : memref<10x120xf32, #tpu.memory_space<vmem>>, vector<10x120xf32>
    %dot_general3A_95 = arith.constant dense<0.000000e+00> : vector<1024x10xf32>
    %dot_general3A_96 = tpu.matmul %tanh3A, %get3A_94, %dot_general3A_95 {dimension_numbers = #tpu.dot_dimension_numbers<[1], [1], [0], [0], [0, 0, 1, 0], [], []>, transpose_lhs_hint = false} : vector<1024x120xf32>, vector<10x120xf32>, vector<1024x10xf32> -> vector<1024x10xf32>
    %slice3A_97 = vector.extract_strided_slice %dot_general3A_96 {offsets = [0, 0], sizes = [1000, 10], strides = [1, 1]} : vector<1024x10xf32> to vector<1000x10xf32>
    %get3A_98 = arith.constant 0 : index
    %get3A_99 = arith.constant 0 : index
    %get3A_100 = vector.load %arg5[%get3A_98, %get3A_99] : memref<1x10xf32, #tpu.memory_space<vmem>>, vector<1x10xf32>
    %add3A_101 = vector.broadcast %get3A_100 : vector<1x10xf32> to vector<1000x10xf32>
    %add3A_102 = arith.addf %slice3A_97, %add3A_101 : vector<1000x10xf32>
    %swap3A = arith.constant 0 : index
    %swap3A_103 = arith.constant 0 : index
    %swap3A_104 = vector.load %arg6[%swap3A, %swap3A_103] : memref<1000x10xf32, #tpu.memory_space<vmem>>, vector<1000x10xf32>
    tpu.vector_store %arg6[%swap3A, %swap3A_103], %add3A_102 {strides = array<i32>} : memref<1000x10xf32, #tpu.memory_space<vmem>>, vector<1000x10xf32>,
    return
  }
}

</mosaic_0001>

<sc_bundles>
// kernel: kernel.4.cloned.1.call-start
scs
__scs_entry_jumppad:
0x0: {  	(pc) =	sbr.rel $0x88, $3  }
0x1: {  	(tag) =	ssettag $0x0;
	lr =	simm.s32 $0x1  }
0x2: {  	[smem:$0x3F9A] =	sst lr;
	_ =	strace $0xD0000000  }
0x3: {  	_ = 	snop  }
0x4: {  	_ = 	snop  }
0x5: {  	_ = 	snop  }
0x6: {  	_ = 	snop  }
0x7: {  	_ = 	snop  }
__scs_overlays_trampoline_lowered:
0x8: {  	[smem:$0x3FA9] =	sst s0  }
0x9: {  	[smem:$0x3FAA] =	sst s1  }
0xa: {  	[smem:$0x3FAB] =	sst s2  }
0xb: {  	[smem:$0x3FAC] =	sst s3  }
0xc: {  	[smem:$0x3FAD] =	sst s4  }
0xd: {  	[smem:$0x3FAE] =	sst s5  }
0xe: {  	[smem:$0x3FAF] =	sst s6  }
0xf: {  	[smem:$0x3FB0] =	sst s7  }
0x10: {  	[smem:$0x3FB1] =	sst s8  }
0x11: {  	[smem:$0x3FB2] =	sst s9;
	s0 =	simm.s32 @!p0 $0x0  }
0x12: {  	s1 =	sld [smem:$0x3F98];
	s0 =	simm.s32 @p0 $0x1  }
0x13: {  	[smem:$0x3FB3] =	sst s0;
	s0 =	simm.s32 @!p1 $0x0  }
0x14: {  	s2 =	sld [smem:$0x3F97];
	s0 =	simm.s32 @p1 $0x1  }
0x15: {  	[smem:$0x3FB4] =	sst s0;
	s0 =	simm.s32 @!p2 $0x0  }
0x16: {  	s3 =	sld [smem:$0x3FDB];
	s0 =	simm.s32 @p2 $0x1  }
0x17: {  	s4 =	simm.s32 $0x1BF5;
	[smem:$0x3FB6] =	sst s0  }
0x18: {  	s0 =	sld [smem:$0x3F99];
	_ =	swait.ge [sflag:s4], $0x0  }
0x19: {  	s7 =	sld [smem:$0x3F9A]  }
0x1a: {  	s8 =	sadd.s32 $0xFFFFE003, lr  }
0x1b: {  	s9 =	sadd.s32 $0xFFFFFEF7, lr;
	s5 =	simm.s32 $0xFFFFFFFF;
	p2 =	slt.u32 s8, $0xFFFFF086  }
0x1c: {  	p1 =	slt.u32 s9, $0xF7A;
	s5 =	simm.s32 @!p2 $0x0  }
0x1d: {  	s5 =	simm.s32 @p1 $0x1;
	p0 =	seq.s32 s7, s2  }
0x1e: {  	s7 =	smul.u32 @!p0 $0xF7A, s2;
	p2 =	seq.s32 @!p0 s5, $0x0  }
0x1f: {  	s9 =	smul.u32 $0xF7A, s1;
	s8 =	simm.s32 @!p0 $0x1BF5;
	p2 =	por !p2, p0  }
0x20: {  	[sflag:s8] =	ssyncset.s32 @!p0 $0xFFFFF086;
	s6 =	sadd.s32 @!p0 s3, s7;
	s7 =	simm.s32 @!p0 $0x108  }
0x21: {  	s3 =	sadd.s32 s3, s9;
	s6 =	sadd.s32 @!p0 $0x88, s6;
	s7 =	simm.s32 @p2 $0x1082  }
0x22: {  	[simem:s7], [sflag:s8] =	dma.local @!p0 [hbm:s6], $0xF7A  }
0x23: {  	s9 =	sor.u32 $0xD0000000, s2;
	s6 =	simm.s32 $0x108;
	_ =	swait.ge @!p0 [sflag:s8], $0x0  }
0x24: {  	s3 =	sadd.s32 $0x88, s3;
	s6 =	simm.s32 @!p1 $0x1082;
	[sflag:s4] =	ssyncset.s32 $0xFFFFF086  }
0x25: {  	[simem:s6], [sflag:s4] =	dma.local [hbm:s3], $0xF7A  }
0x26: {  	[smem:$0x3F9A] =	sst s1;
	(tag) =	ssettag s2;
	_ =	strace s9  }
0x27: {  	s1 =	sld [smem:$0x3FAA]  }
0x28: {  	s2 =	sld [smem:$0x3FAB]  }
0x29: {  	s4 =	sld [smem:$0x3FAD]  }
0x2a: {  	p0 =	seq.s32 s5, $0x0;
	s5 =	sld [smem:$0x3FAE]  }
0x2b: {  	s6 =	sld [smem:$0x3FAF]  }
0x2c: {  	s7 =	sld [smem:$0x3FB0]  }
0x2d: {  	s3 =	simm.s32 $0x108;
	s8 =	sld [smem:$0x3FB1]  }
0x2e: {  	s3 =	simm.s32 @!p0 $0x1082;
	s9 =	sld [smem:$0x3FB2]  }
0x2f: {  	lr =	sadd.s32 s0, s3;
	s0 =	sld [smem:$0x3FA9]  }
0x30: {  	s3 =	sld [smem:$0x3FAC]  }
0x31: {  	[smem:$0x3FB5] =	sst s10  }
0x32: {  	s10 =	sld [smem:$0x3FB3];
	_ =	sdelay $0x3  }
0x33: {  	p0 =	seq.s32 s10, $0x1;
	s10 =	sld [smem:$0x3FB5];
	_ =	sdelay $0x3  }
0x34: {  	[smem:$0x3FB5] =	sst s10  }
0x35: {  	s10 =	sld [smem:$0x3FB4];
	_ =	sdelay $0x3  }
0x36: {  	p1 =	seq.s32 s10, $0x1;
	s10 =	sld [smem:$0x3FB5];
	_ =	sdelay $0x3  }
0x37: {  	[smem:$0x3FB5] =	sst s10  }
0x38: {  	s10 =	sld [smem:$0x3FB6]  }
0x39: {  	_ = 	snop;
	(pc) =	sbr.ind lr, $3  }
0x3a: {  	_ = 	snop  }
0x3b: {  	_ = 	snop  }
0x3c: {  	p2 =	seq.s32 s10, $0x1;
	s10 =	sld [smem:$0x3FB5]  }
0x3d: {  	_ =	shalt  }
0x3e: {  	_ =	shalt  }
0x3f: {  	_ =	shalt  }
0x40: {  	_ =	shalt  }
0x41: {  	_ =	shalt  }
0x42: {  	_ =	shalt  }
0x43: {  	_ =	shalt  }
0x44: {  	_ =	shalt  }
0x45: {  	_ =	shalt  }
0x46: {  	_ =	shalt  }
0x47: {  	_ =	shalt  }
0x48: {  	_ =	shalt  }
0x49: {  	_ =	shalt  }
0x4a: {  	_ =	shalt  }
0x4b: {  	_ =	shalt  }
0x4c: {  	_ =	shalt  }
0x4d: {  	_ =	shalt  }
0x4e: {  	_ =	shalt  }
0x4f: {  	_ =	shalt  }
0x50: {  	_ =	shalt  }
0x51: {  	_ =	shalt  }
0x52: {  	_ =	shalt  }
0x53: {  	_ =	shalt  }
0x54: {  	_ =	shalt  }
0x55: {  	_ =	shalt  }
0x56: {  	_ =	shalt  }
0x57: {  	_ =	shalt  }
0x58: {  	_ =	shalt  }
0x59: {  	_ =	shalt  }
0x5a: {  	_ =	shalt  }
0x5b: {  	_ =	shalt  }
0x5c: {  	_ =	shalt  }
0x5d: {  	_ =	shalt  }
0x5e: {  	_ =	shalt  }
0x5f: {  	_ =	shalt  }
0x60: {  	_ =	shalt  }
0x61: {  	_ =	shalt  }
0x62: {  	_ =	shalt  }
0x63: {  	_ =	shalt  }
0x64: {  	_ =	shalt  }
0x65: {  	_ =	shalt  }
0x66: {  	_ =	shalt  }
0x67: {  	_ =	shalt  }
0x68: {  	_ =	shalt  }
0x69: {  	_ =	shalt  }
0x6a: {  	_ =	shalt  }
0x6b: {  	_ =	shalt  }
0x6c: {  	_ =	shalt  }
0x6d: {  	_ =	shalt  }
0x6e: {  	_ =	shalt  }
0x6f: {  	_ =	shalt  }
0x70: {  	_ =	shalt  }
0x71: {  	_ =	shalt  }
0x72: {  	_ =	shalt  }
0x73: {  	_ =	shalt  }
0x74: {  	_ =	shalt  }
0x75: {  	_ =	shalt  }
0x76: {  	_ =	shalt  }
0x77: {  	_ =	shalt  }
0x78: {  	_ =	shalt  }
0x79: {  	_ =	shalt  }
0x7a: {  	_ =	shalt  }
0x7b: {  	_ =	shalt  }
0x7c: {  	_ =	shalt  }
0x7d: {  	_ =	shalt  }
0x7e: {  	_ =	shalt  }
0x7f: {  	_ =	shalt  }
0x80: {  	_ =	shalt  }
0x81: {  	_ =	shalt  }
0x82: {  	_ =	shalt  }
0x83: {  	_ =	shalt  }
0x84: {  	_ =	shalt  }
0x85: {  	_ =	shalt  }
0x86: {  	_ =	shalt  }
0x87: {  	_ =	shalt  }
.Lfunc_end0:
.L_simem_size_0:
called_computation_lowered:
.L_overlay_start_0:
0x88: {  	s2 =	sld [smem:$0x3FD9]  }
0x89: {  	s3 =	sld [smem:$0x3FFE];
	_ =	sdelay $0x1  }
0x8a: {  	s1 =	srdreg.scid  }
0x8b: {  	s0 =	sand.u32 $0x1, s1  }
0x8c: {  	s17 =	sshll.u32 s0, $0xA;
	s2 =	sadd.s32 s3, s2  }
0x8d: {  	s2 =	sadd.s32 s2, s17  }
0x8e: {  	[smem:$0x3FC1] =	sst s2  }
0x8f: {  	_ = 	snop  }
0x90: {  	s2 =	sld [smem:$0x3FC9]  }
0x91: {  	s18 =	sld [smem:$0x3FC8];
	(tm) =	ssettm $0x1  }
0x92: {  	s4 =	sld [smem:$0x3FFB];
	_ =	sdelay $0x3  }
0x93: {  	_ =	strace s4  }
0x94: {  	s4 =	sld [smem:$0x3FFC];
	_ =	sdelay $0x3  }
0x95: {  	_ =	strace s4  }
0x96: {  	s4 =	sld [smem:$0x3FFD];
	_ =	sdelay $0x3  }
0x97: {  	_ =	strace s4  }
0x98: {  	_ =	strace $0x8FFFFFFF  }
0x99: {  	s19 =	sld [smem:$0x3FDB];
	_ =	sdelay $0x1  }
0x9a: {  	s5 =	simm.s32 $_scs_section_size  }
0x9b: {  	s6 =	simm.s32 $_size__tile_overlayer_lowered;
	s7 =	simm.s32 $_tile_overlayer_lowered  }
0x9c: {  	s22 =	simm.s32 $0x1BFF;
	s21 =	sshll.u32 s7, $0x1;
	s4 =	sadd.s32 s5, s19  }
0x9d: {  	s8 =	simm.s32 $0x0;
	s20 =	sshll.u32 s6, $0x1;
	s6 =	sadd.s32 s21, s4  }
0x9e: {  	[timem:s8], [sflag:s22] =	dma.local [hbm:s6], s20  }
0x9f: {  	_ =	swait.ge [sflag:s22], s20  }
0xa0: {  	s5 =	ssub.s32 $0x0, s20;
	[sflag:s22] =	ssyncset.done $0x0  }
0xa1: {  	[sflag:s22] =	ssyncadd.s32 s5;
	_ =	sdelay $0x1  }
0xa2: {  	s23 =	simm.s32 $0x1B8B  }
0xa3: {  	_ =	swait.ge [sflag:s23], $0x1  }
0xa4: {  	[sflag:s23] =	ssyncset.done $0x0  }
0xa5: {  	s25 =	simm.s32 $0x1B8E;
	s24 =	sld [smem:$0x3FFE];
	[sflag:s23] =	ssyncadd.s32 $0xFFFFFFFF  }
0xa6: {  	s26 =	simm.s32 $execute0_lowered;
	[smem:$0x3FD2] =	sst s25  }
0xa7: {  	s6 =	sshll.u32 s26, $0x1;
	_ =	strace $0x80000046;
	[dreg:$0x1] =	wrdreg $0xFFFFFFFF  }
0xa8: {  	s28 =	simm.s32 $_size_execute0_lowered;
	s4 =	sadd.s32 s4, s6;
	[dreg:$0x0] =	wrdreg $0x0  }
0xa9: {  	s6 =	sshll.u32 s28, $0x1;
	[dreg:$0x2] =	wrdreg s4  }
0xaa: {  	[dreg:$0x3] =	wrdreg s6  }
0xab: {  	[dreg:$0x4] =	wrdreg $0xC0  }
0xac: {  	_ =	task [dreg:s8], $0x5FFFF  }
0xad: {  	[dreg:$0x1] =	wrdreg $0xFFFFFFFF  }
0xae: {  	[dreg:$0x0] =	wrdreg $0x60  }
0xaf: {  	[dreg:$0x2] =	wrdreg s2  }
0xb0: {  	[dreg:$0x3] =	wrdreg s18  }
0xb1: {  	[dreg:$0x4] =	wrdreg s24  }
0xb2: {  	[dreg:$0x5] =	wrdreg $0x9  }
0xb3: {  	_ =	task.clear_ibuf [dreg:s8], $0x6FFFF;
	_ =	strace $0x90000046  }
0xb4: {  	s29 =	simm.s32 $0x9;
	_ =	strace $0x80000048  }
0xb5: {  	_ =	swait.ge [sflag:s29], $0x1  }
0xb6: {  	[sflag:s29] =	ssyncadd.s32 $0xFFFFFFFF  }
0xb7: {  	_ =	strace $0x90000048  }
0xb8: {  	_ =	sfence  }
0xb9: {  	s30 =	sld [smem:$0x0];
	_ =	sdelay $0x2  }
0xba: {  	s31 =	sshll.u32 s1, $0xD;
	s1 =	sshrl.u32 s1, $0x2  }
0xbb: {  	s3 =	sand.u32 $0x4000, s31;
	s1 =	sadd.s32 s1, s30  }
0xbc: {  	s0 =	sor.u32 s3, s0;
	s1 =	sshll.u32 s1, $0x11  }
0xbd: {  	s0 =	sor.u32 s1, s0  }
0xbe: {  	s0 =	sadd.s32 $0x8F2B, s0  }
0xbf: {  	[sflag:s0] =	ssyncadd.remote.s32 $0x1  }
0xc0: {  	_ =	sfence.sel $0xFFFF  }
0xc1: {  	[dreg:$0x0] =	wrdreg $0xFFFFFFFF;
	(pc) =	sbr.abs _section_cstart, $3  }
0xc2: {  	[dreg:$0x1] =	wrdreg $0xFFFFFFFF  }
0xc3: {  	_ =	task.clear_ibuf [dreg:s8], $0x2FFFF;
	_ =	strace $0x9FFFFFFF  }
0xc4: {  	(tm) =	ssettm $0x7FFFFFFF  }
0xc5: {  	_ =	shalt  }
tec
execute0_lowered:
.L_overlay_start_1:
0x0: {  	(tag) =	ssettag $0x1  }
0x1: {  	s3 =	rddreg [dreg:$0x0]  }
0x2: {  	s4 =	rddreg [dreg:$0x1]  }
0x3: {  	s5 =	rddreg [dreg:$0x2]  }
0x4: {  	s0 =	rddreg [dreg:$0x3];
	s2 =	simm.s32 $0x0  }
0x5: {  	s1 =	stileid.u32;
	s6 =	srdreg.scid;
	s10 =	simm.s32 $0x1900  }
0x6: {  	s11 =	simm.s32 $0x80;
	s12 =	simm.s32 $0x400;
	s13 =	simm.s32 $0x3  }
0x7: {  	s14 =	simm.s32 $0x0;
	[smem:$0x7FF] =	sst s2;
	s7 =	sshll.u32 s1, $0xC  }
0x8: {  	s6 =	sand.u32 $0x1, s6;
	s8 =	sshll.u32 s1, $0x1;
	_ =	strace $0x80000047  }
0x9: {  	s7 =	sand.u32 $0xC000, s7;
	s8 =	sor.u32 s6, s8;
	s6 =	ssub.s32 $0x2, s6  }
0xa: {  	s5 =	sadd.s32 s7, s5;
	s7 =	smul.u32 $0x188, s8;
	s9 =	sshrl.u32 s6, $0x1  }
0xb: {  	p0 =	seq.s32 s8, $0x1F;
	s8 =	sshll.u32 s8, $0x4;
	s6 =	ssub.s32 s6, s9  }
0xc: {  	s8 =	sand.u32 $0x70, s8;
	s9 =	simm.s32 $0x160;
	s7 =	simm.s32 @p0 $0x2F4C  }
0xd: {  	s5 =	sadd.s32 s8, s5;
	s9 =	simm.s32 @!p0 $0x0;
	s6 =	smax.u32 s6, $0x1  }
0xe: {  	v1 =	vimm.f32 $0.0e+00;
	s8 =	simm.s32 $0x1;
	s3 =	sadd.s32 s3, s7;
	s4 =	sadd.s32 s4, s7  }
0xf: {  	v2 =	vlaneseq.u32;
	v3 =	vimm.f32 $1.000000000e+00;
	s5 =	sadd.s32 $0xE00, s5;
	s7 =	simm.s32 $0xC80;
	v0 =	vmov s9;
	s9 =	simm.s32 $0x2  }
.LBB2_1:
0x10: {  	[tilespmem:s2], [sflag:$0x1] =	stream.linear.gather [hbm4b:s3+s2], $0xC40, $0x38;
	[tilespmem:$0x5900] =	vst v63  }
0x11: {  	s15 =	simm.s32 $0x0;
	s16 =	simm.s32 $0x200  }
0x12: {  	[tilespmem:s7], [sflag:$0x2] =	stream.linear.gather [hbm4b:s4+s2], $0xC40, $0x38;
	[tilespmem:$0x5900] =	vst v63  }
.LBB2_2:
0x13: {  	p0 =	sne.s32 s16, $0xFE00;
	[tilespmem:s15+$0x1970] =	vst v1  }
0x14: {  	[tilespmem:s15+$0x1900] =	vst v1  }
0x15: {  	[tilespmem:s15+$0x1910] =	vst v1  }
.Ltmp0:
0x16: {  	[tilespmem:s15+$0x1920] =	vst v1;
	(pc) =	sbr.rel @p0 .LBB2_2-.Ltmp0, $4  }
0x17: {  	[tilespmem:s15+$0x1930] =	vst v1  }
0x18: {  	[tilespmem:s15+$0x1940] =	vst v1  }
0x19: {  	[tilespmem:s15+$0x1950] =	vst v1  }
0x1a: {  	[tilespmem:s15+$0x1960] =	vst v1;
	s15 =	sshra.s32 s16, $0x2;
	s16 =	sadd.s32 $0x200, s16  }
0x1b: {  	[tilespmem:s15+$0x1970] =	vst v1  }
0x1c: {  	[tilespmem:s15+$0x1900] =	vst v1  }
0x1d: {  	[tilespmem:s15+$0x1910] =	vst v1  }
0x1e: {  	[tilespmem:s15+$0x1920] =	vst v1  }
0x1f: {  	[tilespmem:s15+$0x1930] =	vst v1  }
0x20: {  	[tilespmem:s15+$0x1940] =	vst v1  }
0x21: {  	[tilespmem:s15+$0x1950] =	vst v1  }
0x22: {  	[tilespmem:s15+$0x1960] =	vst v1  }
0x23: {  	_ =	swait.ge [sflag:s8], $0xC40  }
0x24: {  	[sflag:s8] =	ssyncset.done $0x0  }
0x25: {  	[sflag:s8] =	ssyncadd.s32 $0xFFFFF3C0  }
0x26: {  	_ =	swait.ge [sflag:s9], $0xC40  }
0x27: {  	s15 =	simm.s32 $0x30;
	[sflag:s9] =	ssyncset.done $0x0  }
0x28: {  	s16 =	simm.s32 $0x20;
	s17 =	simm.s32 $0xCA0;
	[sflag:s9] =	ssyncadd.s32 $0xFFFFF3C0  }
.LBB2_4:
0x29: {  	v4 =	vld [tilespmem:s17+$0xFFFFFFE0]  }
0x2a: {  	v5 =	vld [tilespmem:s16+$0xFFFFFFE0];
	_ =	sdelay $0x1  }
0x2b: {  	s18 =	sadd.s32 $0xFFFFFFD0, s15  }
0x2c: {  	v6 =	vor.u32 s18, v2  }
0x2d: {  	vm0 =	vge.u32 v6, v0;
	v4 =	vshll.u32 v4, $0x4  }
0x2e: {  	v4 =	vadd.s32 v5, v4;
	_ =	sdelay $0x4  }
0x2f: {  	[tilespmem:v4+s10+$0x0] =	vst.idx.add.f32.msk vm0, v3  }
0x30: {  	v4 =	vld [tilespmem:s17+$0xFFFFFFF0]  }
0x31: {  	v5 =	vld [tilespmem:s16+$0xFFFFFFF0];
	_ =	sdelay $0x1  }
0x32: {  	s30 =	sadd.s32 $0xFFFFFFE0, s15  }
0x33: {  	v61 =	vor.u32 s30, v2  }
0x34: {  	vm13 =	vge.u32 v61, v0;
	v4 =	vshll.u32 v4, $0x4  }
0x35: {  	v4 =	vadd.s32 v5, v4;
	_ =	sdelay $0x4  }
0x36: {  	[tilespmem:v4+s10+$0x0] =	vst.idx.add.f32.msk vm13, v3  }
0x37: {  	v4 =	vld [tilespmem:s17+$0x0]  }
0x38: {  	v5 =	vld [tilespmem:s16+$0x0];
	_ =	sdelay $0x1  }
0x39: {  	s31 =	sadd.s32 $0xFFFFFFF0, s15  }
0x3a: {  	v62 =	vor.u32 s31, v2  }
0x3b: {  	vm14 =	vge.u32 v62, v0;
	v4 =	vshll.u32 v4, $0x4  }
0x3c: {  	v4 =	vadd.s32 v5, v4;
	_ =	sdelay $0x4  }
0x3d: {  	[tilespmem:v4+s10+$0x0] =	vst.idx.add.f32.msk vm14, v3  }
0x3e: {  	v4 =	vld [tilespmem:s17+$0x10]  }
0x3f: {  	v5 =	vld [tilespmem:s16+$0x10];
	_ =	sdelay $0x2  }
0x40: {  	v63 =	vor.u32 s15, v2  }
0x41: {  	vm15 =	vge.u32 v63, v0;
	v4 =	vshll.u32 v4, $0x4  }
0x42: {  	p0 =	sne.s32 s15, $0xC30;
	v4 =	vadd.s32 v5, v4  }
.Ltmp1:
0x43: {  	_ = 	snop;
	(pc) =	sbr.rel @p0 .LBB2_4-.Ltmp1, $2  }
0x44: {  	_ =	sdelay $0x2  }
0x45: {  	s15 =	sadd.s32 $0x40, s15;
	s16 =	sadd.s32 $0x40, s16;
	s17 =	sadd.s32 $0x40, s17;
	[tilespmem:v4+s10+$0x0] =	vst.idx.add.f32.msk vm15, v3  }
0x46: {  	s14 =	sadd.s32 $0x1, s14  }
0x47: {  	p0 =	sne.s32 s14, s6  }
.Ltmp2:
0x48: {  	_ = 	snop;
	(pc) =	sbr.rel @p0 .LBB2_1-.Ltmp2, $4  }
0x49: {  	[hbm4b:s5+s11] =	stream.strided.scatter [tilespmem:s10], [sflag:$0x3], $0x4000, s12, s11, $0x38;
	[tilespmem:$0x5900] =	vst v63  }
0x4a: {  	_ =	swait.ge [sflag:s13], $0x4000  }
0x4b: {  	[sflag:s13] =	ssyncset.done $0x0  }
0x4c: {  	[sflag:s13] =	ssyncadd.s32 $0xFFFFC000  }
0x4d: {  	_ =	sfence.sel $0x180000  }
0x4e: {  	[bflag:$0x0] =	sbarrier.arrive $0xFFFF  }
0x4f: {  	p0 =	sne.s32 s1, $0x0;
	_ =	strace $0x90000047  }
0x50: {  	s0 =	sadd.s32 @!p0 $0x100000, s0;
	[bflag:$0x2] =	sbarrier.arrive $0xFFFF  }
0x51: {  	[sflag:s0] =	ssyncadd.tile.s32 @!p0 $0x1;
	_ =	shalt  }
.Lfunc_end2:
_tile_overlayer_lowered:
.L_overlay_start_2:
0x52: {  	(tag) =	ssettag $0x2  }
0x53: {  	s0 =	rddreg [dreg:$0x0];
	s2 =	stileid.u32  }
0x54: {  	s1 =	rddreg [dreg:$0x1];
	p0 =	sne.s32 s2, $0x0  }
0x55: {  	s3 =	rddreg [dreg:$0x2];
	[bflag:$0x3] =	sbarrier.arrive $0xFFFF;
	s2 =	simm.s32 @!p0 $0x1C03  }
0x56: {  	[timem:s3], [sflag:s2] =	dma.local @!p0 [hbm:s0], s1  }
0x57: {  	s0 =	simm.s32 @!p0 $0x3  }
0x58: {  	_ =	swait.ge @!p0 [sflag:s0], s1  }
0x59: {  	s1 =	ssub.s32 @!p0 $0x0, s1;
	[sflag:s0] =	ssyncset.done @!p0 $0x0  }
0x5a: {  	[sflag:s0] =	ssyncadd.s32 @!p0 s1  }
0x5b: {  	[bflag:$0x3] =	sbarrier.arrive $0xFFFF  }
0x5c: {  	_ =	shalt  }

</sc_bundles>
